<compile_context>
chip_gen: v7x
topology: tpu7x:2x2x1
jax: 0.10.2.dev20260603
libtpu: 0.0.44.dev20260713+nightly
codegen_flags: <defaults>
</compile_context>

<pallas_src>
import jax
import jax.numpy as jnp
from jax import lax
from jax.experimental import pallas as pl
from jax.experimental.pallas import tpu as pltpu
from jax.experimental.pallas import tpu_sc as plsc

_N = 10000
_D = 128
_B = 64
_E = 2 * _B
_NC = 2
_PER_W = _E // 16


def _sc_gather(ids_hbm, dflat_hbm, mem_hbm, delta_hbm, gm_hbm, gd_hbm,
               idx_v, rows_v, sem):
    wid = lax.axis_index("s") * _NC + lax.axis_index("c")
    base = (wid % 16) * _PER_W
    pltpu.sync_copy(ids_hbm.at[pl.ds(base, _PER_W)], idx_v)
    pltpu.async_copy(mem_hbm.at[idx_v], rows_v, sem).wait()
    pltpu.sync_copy(rows_v, gm_hbm.at[pl.ds(base, _PER_W)])
    pltpu.sync_copy(dflat_hbm.at[pl.ds(base, _PER_W)], idx_v)
    pltpu.async_copy(delta_hbm.at[idx_v], rows_v, sem).wait()
    pltpu.sync_copy(rows_v, gd_hbm.at[pl.ds(base, _PER_W)])


def _body(mem_ref, gm_ref, gd_ref, out_ref):
    out_ref[...] = mem_ref[...] + gm_ref[0, 0] + gd_ref[0, 0]


def kernel(memory, source, target, delta_t_vec,
           W_src1, b_src1, W_src2, b_src2,
           W_tar1, b_tar1, W_tar2, b_tar2,
           W_ih, W_hh, b_ih, b_hh):
    f32 = jnp.float32
    src = source[:, 0].astype(jnp.int32)
    tar = target[:, 0].astype(jnp.int32)
    ids = jnp.concatenate([src, tar])
    bidx = jnp.arange(_B, dtype=jnp.int32)
    dflat = jnp.concatenate([bidx * _N + src, bidx * _N + tar])
    delta2d = delta_t_vec.reshape(_B * _N, _D)
    mesh = plsc.VectorSubcoreMesh(core_axis_name="c", subcore_axis_name="s")
    sc_gather = pl.kernel(
        _sc_gather,
        out_type=[jax.ShapeDtypeStruct((_E, _D), f32),
                  jax.ShapeDtypeStruct((_E, _D), f32)],
        mesh=mesh,
        scratch_types=[
            pltpu.VMEM((_PER_W,), jnp.int32),
            pltpu.VMEM((_PER_W, _D), f32),
            pltpu.SemaphoreType.DMA,
        ],
    )
    gm, gd = sc_gather(ids, dflat, memory, delta2d)
    vspec = pl.BlockSpec(memory_space=pltpu.MemorySpace.VMEM)
    return pl.pallas_call(
        _body,
        out_shape=jax.ShapeDtypeStruct((_N, _D), f32),
        in_specs=[vspec] * 3,
        out_specs=vspec,
    )(memory, gm, gd)

# --- scband reference (transcript-rebuilt; emitter-appended) ---
"""Pipeline reference for scband-memory-updater-82927228551577 (READ-ONLY COPY).

The authoritative reference and input builder live on the scoring server;
editing this copy changes nothing except your own understanding.
"""

import jax, jax.numpy as jnp
import numpy as np

LATENT = 128
N_NODES = 10000
BATCH = 64


def _mlp(x, W1, b1, W2, b2):
    h = jax.nn.relu(x @ W1.T + b1)
    return h @ W2.T + b2


def _gru_cell(x, h, W_ih, W_hh, b_ih, b_hh):
    gi = x @ W_ih.T + b_ih
    gh = h @ W_hh.T + b_hh
    i_r, i_z, i_n = jnp.split(gi, 3, axis=-1)
    h_r, h_z, h_n = jnp.split(gh, 3, axis=-1)
    r = jax.nn.sigmoid(i_r + h_r)
    z = jax.nn.sigmoid(i_z + h_z)
    n = jnp.tanh(i_n + r * h_n)
    return (1.0 - z) * n + z * h


def setup_inputs(seed: int = 0) -> dict:
    key = jax.random.key(seed)
    ks = jax.random.split(key, 20)
    d = LATENT
    s = 0.02
    inp = {}
    inp["memory"] = jax.random.normal(ks[0], (N_NODES, d), dtype=jnp.float32)
    inp["source"] = jax.random.randint(ks[1], (BATCH, 1), 0, N_NODES)
    inp["target"] = jax.random.randint(ks[2], (BATCH, 1), 0, N_NODES)
    inp["delta_t_vec"] = jax.random.normal(ks[3], (BATCH, N_NODES, d), dtype=jnp.float32)
    # src_mlp params
    inp["W_src1"] = jax.random.normal(ks[4], (d, 3 * d), dtype=jnp.float32) * s
    inp["b_src1"] = jnp.zeros((d,), dtype=jnp.float32)
    inp["W_src2"] = jax.random.normal(ks[5], (d, d), dtype=jnp.float32) * s
    inp["b_src2"] = jnp.zeros((d,), dtype=jnp.float32)
    # tar_mlp params
    inp["W_tar1"] = jax.random.normal(ks[6], (d, 3 * d), dtype=jnp.float32) * s
    inp["b_tar1"] = jnp.zeros((d,), dtype=jnp.float32)
    inp["W_tar2"] = jax.random.normal(ks[7], (d, d), dtype=jnp.float32) * s
    inp["b_tar2"] = jnp.zeros((d,), dtype=jnp.float32)
    # GRUCell params (gate order r,z,n like torch)
    inp["W_ih"] = jax.random.normal(ks[8], (3 * d, d), dtype=jnp.float32) * s
    inp["W_hh"] = jax.random.normal(ks[9], (3 * d, d), dtype=jnp.float32) * s
    inp["b_ih"] = jnp.zeros((3 * d,), dtype=jnp.float32)
    inp["b_hh"] = jnp.zeros((3 * d,), dtype=jnp.float32)
    return inp


def reference(memory, source, target, delta_t_vec,
              W_src1, b_src1, W_src2, b_src2,
              W_tar1, b_tar1, W_tar2, b_tar2,
              W_ih, W_hh, b_ih, b_hh):
    B = source.shape[0]
    N, d = memory.shape
    src = source[:, 0]
    tar = target[:, 0]
    bidx = jnp.arange(B)
    src_mem = memory[src]
    tar_mem = memory[tar]
    src_dt = delta_t_vec[bidx, src, :]
    tar_dt = delta_t_vec[bidx, tar, :]
    src_msg = _mlp(jnp.concatenate([src_mem, tar_mem, src_dt], axis=-1), W_src1, b_src1, W_src2, b_src2)
    tar_msg = _mlp(jnp.concatenate([tar_mem, src_mem, tar_dt], axis=-1), W_tar1, b_tar1, W_tar2, b_tar2)
    ids = jnp.concatenate([src, tar], axis=0)
    msgs = jnp.concatenate([src_msg, tar_msg], axis=0)
    # scatter-mean over full node range (equivalent to unique + scatter_mean)
    sum_msg = jnp.zeros((N, d), dtype=msgs.dtype).at[ids].add(msgs)
    cnt = jnp.zeros((N,), dtype=msgs.dtype).at[ids].add(1.0)
    agg = sum_msg / jnp.maximum(cnt, 1.0)[:, None]
    new_mem = _gru_cell(agg, memory, W_ih, W_hh, b_ih, b_hh)
    touched = (cnt > 0)[:, None]
    return jnp.where(touched, new_mem, memory)

if __name__ == "__main__":
    import jax
    _d = setup_inputs()
    print(jax.jit(kernel)(*tuple(_d.values())))

</pallas_src>

<mosaic_0001>
#map = affine_map<(d0, d1) -> (0)>
#map1 = affine_map<(d0, d1) -> (0, 0)>
module attributes {stable_mosaic.version = 14 : i64} {
  func.func @_sc_gather(%arg0: i32, %arg1: i32, %arg2: memref<128xi32, #tpu.memory_space<hbm>>, %arg3: memref<128xi32, #tpu.memory_space<hbm>>, %arg4: memref<10000x128xf32, #tpu.memory_space<hbm>>, %arg5: memref<640000x128xf32, #tpu.memory_space<hbm>>, %arg6: memref<128x128xf32, #tpu.memory_space<hbm>>, %arg7: memref<128x128xf32, #tpu.memory_space<hbm>>, %arg8: memref<8xi32, #tpu.memory_space<vmem>>, %arg9: memref<8x128xf32, #tpu.memory_space<vmem>>, %arg10: memref<!tpu.dma_semaphore, #tpu.memory_space<semaphore_mem>>) attributes {dimension_semantics = [#tpu.dimension_semantics<core_parallel>, #tpu.dimension_semantics<subcore_parallel>], iteration_bounds = array<i64: 2, 16>, scalar_prefetch = 0 : i64, scratch_operands = 3 : i64, tpu.core_type = #tpu.core_type<sc_vector_subcore>, window_params = [{transform_indices = #map}, {transform_indices = #map}, {transform_indices = #map1}, {transform_indices = #map1}, {transform_indices = #map1}, {transform_indices = #map1}]} {
    %mul3A = arith.constant 2 : i32
    %mul3A_0 = arith.muli %arg1, %mul3A : i32
    %add3A = arith.addi %mul3A_0, %arg0 : i32
    %jit3A = arith.constant 16 : i32
    %eq3A = arith.constant 0 : i32
    %eq3A_1 = arith.cmpi eq, %jit3A, %eq3A : i32
    %jit3A_2 = arith.constant 1 : i32
    %select_n3A = arith.select %eq3A_1, %jit3A_2, %jit3A : i32
    %rem3A = arith.remsi %add3A, %select_n3A : i32
    %ne3A = arith.constant 0 : i32
    %ne3A_3 = arith.cmpi ne, %rem3A, %ne3A : i32
    %lt3A = arith.constant 0 : i32
    %lt3A_4 = arith.cmpi slt, %rem3A, %lt3A : i32
    %lt3A_5 = arith.constant 0 : i32
    %lt3A_6 = arith.cmpi slt, %select_n3A, %lt3A_5 : i32
    %ne3A_7 = arith.xori %lt3A_4, %lt3A_6 : i1
    %and3A = arith.andi %ne3A_7, %ne3A_3 : i1
    %add3A_8 = arith.addi %rem3A, %select_n3A : i32
    %select_n3A_9 = arith.select %and3A, %add3A_8, %rem3A : i32
    %mul3A_10 = arith.constant 8 : i32
    %mul3A_11 = arith.muli %select_n3A_9, %mul3A_10 : i32
    "tpu.region"() ({
      %run_scoped3A = tpu.sem_alloc : memref<!tpu.dma_semaphore, #tpu.memory_space<semaphore_mem>>
      %dma_start3A_22 = tpu.memref_slice %arg2[%mul3A_11] : memref<128xi32, #tpu.memory_space<hbm>> -> memref<8xi32, #tpu.memory_space<hbm>>
      %dma_start3A_23 = tpu.memref_slice %arg2[%mul3A_11] : memref<128xi32, #tpu.memory_space<hbm>> -> memref<8xi32, #tpu.memory_space<hbm>>
      tpu.enqueue_dma source(%dma_start3A_23 : memref<8xi32, #tpu.memory_space<hbm>>) target(%arg8 : memref<8xi32, #tpu.memory_space<vmem>>) target_semaphore(%run_scoped3A : memref<!tpu.dma_semaphore, #tpu.memory_space<semaphore_mem>>)
      %dma_wait3A_24 = tpu.memref_slice %arg2[%mul3A_11] : memref<128xi32, #tpu.memory_space<hbm>> -> memref<8xi32, #tpu.memory_space<hbm>>
      %dma_wait3A_25 = tpu.memref_slice %arg2[%mul3A_11] : memref<128xi32, #tpu.memory_space<hbm>> -> memref<8xi32, #tpu.memory_space<hbm>>
      tpu.wait_dma2 semaphore(%run_scoped3A : memref<!tpu.dma_semaphore, #tpu.memory_space<semaphore_mem>>) src(%dma_wait3A_25 : memref<8xi32, #tpu.memory_space<hbm>>) dst(%arg8 : memref<8xi32, #tpu.memory_space<vmem>>)
      tpu.yield
    }) : () -> ()
    %dma_start3A = arith.constant 0 : i32
    %dma_start3A_12 = arith.constant 0 : i32
    %dma_start3A_13 = tpu.memref_slice %arg4[%dma_start3A, %dma_start3A_12] : memref<10000x128xf32, #tpu.memory_space<hbm>> -> memref<10000x128xf32, #tpu.memory_space<hbm>>
    tpu.enqueue_indirect_dma source(%dma_start3A_13 : memref<10000x128xf32, #tpu.memory_space<hbm>>) target(%arg9 : memref<8x128xf32, #tpu.memory_space<vmem>>) offsets(%arg8 : memref<8xi32, #tpu.memory_space<vmem>>) semaphore(%arg10 : memref<!tpu.dma_semaphore, #tpu.memory_space<semaphore_mem>>)
    %dma_wait3A = arith.constant 0 : i32
    %dma_wait3A_14 = arith.constant 0 : i32
    %dma_wait3A_15 = tpu.memref_slice %arg4[%dma_wait3A, %dma_wait3A_14] : memref<10000x128xf32, #tpu.memory_space<hbm>> -> memref<10000x128xf32, #tpu.memory_space<hbm>>
    tpu.wait_indirect_dma semaphore(%arg10 : memref<!tpu.dma_semaphore, #tpu.memory_space<semaphore_mem>>) src(%dma_wait3A_15 : memref<10000x128xf32, #tpu.memory_space<hbm>>) dst(%arg9 : memref<8x128xf32, #tpu.memory_space<vmem>>)
    "tpu.region"() ({
      %run_scoped3A = tpu.sem_alloc : memref<!tpu.dma_semaphore, #tpu.memory_space<semaphore_mem>>
      %dma_start3A_22 = arith.constant 0 : i32
      %dma_start3A_23 = tpu.memref_slice %arg6[%mul3A_11, %dma_start3A_22] : memref<128x128xf32, #tpu.memory_space<hbm>> -> memref<8x128xf32, #tpu.memory_space<hbm>>
      %dma_start3A_24 = arith.constant 0 : i32
      %dma_start3A_25 = tpu.memref_slice %arg6[%mul3A_11, %dma_start3A_24] : memref<128x128xf32, #tpu.memory_space<hbm>> -> memref<8x128xf32, #tpu.memory_space<hbm>>
      tpu.enqueue_dma source(%arg9 : memref<8x128xf32, #tpu.memory_space<vmem>>) target(%dma_start3A_25 : memref<8x128xf32, #tpu.memory_space<hbm>>) target_semaphore(%run_scoped3A : memref<!tpu.dma_semaphore, #tpu.memory_space<semaphore_mem>>)
      %dma_wait3A_26 = arith.constant 0 : i32
      %dma_wait3A_27 = tpu.memref_slice %arg6[%mul3A_11, %dma_wait3A_26] : memref<128x128xf32, #tpu.memory_space<hbm>> -> memref<8x128xf32, #tpu.memory_space<hbm>>
      %dma_wait3A_28 = arith.constant 0 : i32
      %dma_wait3A_29 = tpu.memref_slice %arg6[%mul3A_11, %dma_wait3A_28] : memref<128x128xf32, #tpu.memory_space<hbm>> -> memref<8x128xf32, #tpu.memory_space<hbm>>
      tpu.wait_dma2 semaphore(%run_scoped3A : memref<!tpu.dma_semaphore, #tpu.memory_space<semaphore_mem>>) src(%arg9 : memref<8x128xf32, #tpu.memory_space<vmem>>) dst(%dma_wait3A_29 : memref<8x128xf32, #tpu.memory_space<hbm>>)
      tpu.yield
    }) : () -> ()
    "tpu.region"() ({
      %run_scoped3A = tpu.sem_alloc : memref<!tpu.dma_semaphore, #tpu.memory_space<semaphore_mem>>
      %dma_start3A_22 = tpu.memref_slice %arg3[%mul3A_11] : memref<128xi32, #tpu.memory_space<hbm>> -> memref<8xi32, #tpu.memory_space<hbm>>
      %dma_start3A_23 = tpu.memref_slice %arg3[%mul3A_11] : memref<128xi32, #tpu.memory_space<hbm>> -> memref<8xi32, #tpu.memory_space<hbm>>
      tpu.enqueue_dma source(%dma_start3A_23 : memref<8xi32, #tpu.memory_space<hbm>>) target(%arg8 : memref<8xi32, #tpu.memory_space<vmem>>) target_semaphore(%run_scoped3A : memref<!tpu.dma_semaphore, #tpu.memory_space<semaphore_mem>>)
      %dma_wait3A_24 = tpu.memref_slice %arg3[%mul3A_11] : memref<128xi32, #tpu.memory_space<hbm>> -> memref<8xi32, #tpu.memory_space<hbm>>
      %dma_wait3A_25 = tpu.memref_slice %arg3[%mul3A_11] : memref<128xi32, #tpu.memory_space<hbm>> -> memref<8xi32, #tpu.memory_space<hbm>>
      tpu.wait_dma2 semaphore(%run_scoped3A : memref<!tpu.dma_semaphore, #tpu.memory_space<semaphore_mem>>) src(%dma_wait3A_25 : memref<8xi32, #tpu.memory_space<hbm>>) dst(%arg8 : memref<8xi32, #tpu.memory_space<vmem>>)
      tpu.yield
    }) : () -> ()
    %dma_start3A_16 = arith.constant 0 : i32
    %dma_start3A_17 = arith.constant 0 : i32
    %dma_start3A_18 = tpu.memref_slice %arg5[%dma_start3A_16, %dma_start3A_17] : memref<640000x128xf32, #tpu.memory_space<hbm>> -> memref<640000x128xf32, #tpu.memory_space<hbm>>
    tpu.enqueue_indirect_dma source(%dma_start3A_18 : memref<640000x128xf32, #tpu.memory_space<hbm>>) target(%arg9 : memref<8x128xf32, #tpu.memory_space<vmem>>) offsets(%arg8 : memref<8xi32, #tpu.memory_space<vmem>>) semaphore(%arg10 : memref<!tpu.dma_semaphore, #tpu.memory_space<semaphore_mem>>)
    %dma_wait3A_19 = arith.constant 0 : i32
    %dma_wait3A_20 = arith.constant 0 : i32
    %dma_wait3A_21 = tpu.memref_slice %arg5[%dma_wait3A_19, %dma_wait3A_20] : memref<640000x128xf32, #tpu.memory_space<hbm>> -> memref<640000x128xf32, #tpu.memory_space<hbm>>
    tpu.wait_indirect_dma semaphore(%arg10 : memref<!tpu.dma_semaphore, #tpu.memory_space<semaphore_mem>>) src(%dma_wait3A_21 : memref<640000x128xf32, #tpu.memory_space<hbm>>) dst(%arg9 : memref<8x128xf32, #tpu.memory_space<vmem>>)
    "tpu.region"() ({
      %run_scoped3A = tpu.sem_alloc : memref<!tpu.dma_semaphore, #tpu.memory_space<semaphore_mem>>
      %dma_start3A_22 = arith.constant 0 : i32
      %dma_start3A_23 = tpu.memref_slice %arg7[%mul3A_11, %dma_start3A_22] : memref<128x128xf32, #tpu.memory_space<hbm>> -> memref<8x128xf32, #tpu.memory_space<hbm>>
      %dma_start3A_24 = arith.constant 0 : i32
      %dma_start3A_25 = tpu.memref_slice %arg7[%mul3A_11, %dma_start3A_24] : memref<128x128xf32, #tpu.memory_space<hbm>> -> memref<8x128xf32, #tpu.memory_space<hbm>>
      tpu.enqueue_dma source(%arg9 : memref<8x128xf32, #tpu.memory_space<vmem>>) target(%dma_start3A_25 : memref<8x128xf32, #tpu.memory_space<hbm>>) target_semaphore(%run_scoped3A : memref<!tpu.dma_semaphore, #tpu.memory_space<semaphore_mem>>)
      %dma_wait3A_26 = arith.constant 0 : i32
      %dma_wait3A_27 = tpu.memref_slice %arg7[%mul3A_11, %dma_wait3A_26] : memref<128x128xf32, #tpu.memory_space<hbm>> -> memref<8x128xf32, #tpu.memory_space<hbm>>
      %dma_wait3A_28 = arith.constant 0 : i32
      %dma_wait3A_29 = tpu.memref_slice %arg7[%mul3A_11, %dma_wait3A_28] : memref<128x128xf32, #tpu.memory_space<hbm>> -> memref<8x128xf32, #tpu.memory_space<hbm>>
      tpu.wait_dma2 semaphore(%run_scoped3A : memref<!tpu.dma_semaphore, #tpu.memory_space<semaphore_mem>>) src(%arg9 : memref<8x128xf32, #tpu.memory_space<vmem>>) dst(%dma_wait3A_29 : memref<8x128xf32, #tpu.memory_space<hbm>>)
      tpu.yield
    }) : () -> ()
    return
  }
}

module attributes {stable_mosaic.version = 14 : i64} {
  func.func @_body(%arg0: memref<10000x128xf32, #tpu.memory_space<vmem>>, %arg1: memref<128x128xf32, #tpu.memory_space<vmem>>, %arg2: memref<128x128xf32, #tpu.memory_space<vmem>>, %arg3: memref<10000x128xf32, #tpu.memory_space<vmem>>) attributes {dimension_semantics = [], scalar_prefetch = 0 : i64, scratch_operands = 0 : i64, tpu.core_type = #tpu.core_type<tc>} {
    %get3A = arith.constant 0 : index
    %get3A_0 = arith.constant 0 : index
    %get3A_1 = vector.load %arg0[%get3A, %get3A_0] : memref<10000x128xf32, #tpu.memory_space<vmem>>, vector<10000x128xf32>
    %get3A_2 = arith.constant 0 : index
    %get3A_3 = arith.constant 0 : index
    %get3A_4 = vector.load %arg1[%get3A_2, %get3A_3] : memref<128x128xf32, #tpu.memory_space<vmem>>, vector<1x1xf32>
    %get3A_5 = vector.extract %get3A_4[0, 0] : f32 from vector<1x1xf32>
    %add3A = vector.broadcast %get3A_5 : f32 to vector<10000x128xf32>
    %add3A_6 = arith.addf %get3A_1, %add3A : vector<10000x128xf32>
    %get3A_7 = arith.constant 0 : index
    %get3A_8 = arith.constant 0 : index
    %get3A_9 = vector.load %arg2[%get3A_7, %get3A_8] : memref<128x128xf32, #tpu.memory_space<vmem>>, vector<1x1xf32>
    %get3A_10 = vector.extract %get3A_9[0, 0] : f32 from vector<1x1xf32>
    %add3A_11 = vector.broadcast %get3A_10 : f32 to vector<10000x128xf32>
    %add3A_12 = arith.addf %add3A_6, %add3A_11 : vector<10000x128xf32>
    %swap3A = arith.constant 0 : index
    %swap3A_13 = arith.constant 0 : index
    %swap3A_14 = vector.load %arg3[%swap3A, %swap3A_13] : memref<10000x128xf32, #tpu.memory_space<vmem>>, vector<10000x128xf32>
    tpu.vector_store %arg3[%swap3A, %swap3A_13], %add3A_12 {strides = array<i32>} : memref<10000x128xf32, #tpu.memory_space<vmem>>, vector<10000x128xf32>,
    return
  }
}

</mosaic_0001>

<sc_bundles>
// kernel: kernel.4.cloned.1.call-start
scs
__scs_entry_jumppad:
0x0: {  	(pc) =	sbr.rel $0x88, $3  }
0x1: {  	(tag) =	ssettag $0x0;
	lr =	simm.s32 $0x1  }
0x2: {  	[smem:$0x3F9D] =	sst lr;
	_ =	strace $0xD0000000  }
0x3: {  	_ = 	snop  }
0x4: {  	_ = 	snop  }
0x5: {  	_ = 	snop  }
0x6: {  	_ = 	snop  }
0x7: {  	_ = 	snop  }
__scs_overlays_trampoline_lowered:
0x8: {  	[smem:$0x3FAC] =	sst s0  }
0x9: {  	[smem:$0x3FAD] =	sst s1  }
0xa: {  	[smem:$0x3FAE] =	sst s2  }
0xb: {  	[smem:$0x3FAF] =	sst s3  }
0xc: {  	[smem:$0x3FB0] =	sst s4  }
0xd: {  	[smem:$0x3FB1] =	sst s5  }
0xe: {  	[smem:$0x3FB2] =	sst s6  }
0xf: {  	[smem:$0x3FB3] =	sst s7  }
0x10: {  	[smem:$0x3FB4] =	sst s8  }
0x11: {  	[smem:$0x3FB5] =	sst s9;
	s0 =	simm.s32 @!p0 $0x0  }
0x12: {  	s1 =	sld [smem:$0x3F9B];
	s0 =	simm.s32 @p0 $0x1  }
0x13: {  	[smem:$0x3FB6] =	sst s0;
	s0 =	simm.s32 @!p1 $0x0  }
0x14: {  	s2 =	sld [smem:$0x3F9A];
	s0 =	simm.s32 @p1 $0x1  }
0x15: {  	[smem:$0x3FB7] =	sst s0;
	s0 =	simm.s32 @!p2 $0x0  }
0x16: {  	s3 =	sld [smem:$0x3FDB];
	s0 =	simm.s32 @p2 $0x1  }
0x17: {  	s4 =	simm.s32 $0x1BF5;
	[smem:$0x3FB9] =	sst s0  }
0x18: {  	s0 =	sld [smem:$0x3F9C];
	_ =	swait.ge [sflag:s4], $0x0  }
0x19: {  	s7 =	sld [smem:$0x3F9D]  }
0x1a: {  	s8 =	sadd.s32 $0xFFFFE003, lr  }
0x1b: {  	s9 =	sadd.s32 $0xFFFFFEF7, lr;
	s5 =	simm.s32 $0xFFFFFFFF;
	p2 =	slt.u32 s8, $0xFFFFF086  }
0x1c: {  	p1 =	slt.u32 s9, $0xF7A;
	s5 =	simm.s32 @!p2 $0x0  }
0x1d: {  	s5 =	simm.s32 @p1 $0x1;
	p0 =	seq.s32 s7, s2  }
0x1e: {  	s7 =	smul.u32 @!p0 $0xF7A, s2;
	p2 =	seq.s32 @!p0 s5, $0x0  }
0x1f: {  	s9 =	smul.u32 $0xF7A, s1;
	s8 =	simm.s32 @!p0 $0x1BF5;
	p2 =	por !p2, p0  }
0x20: {  	[sflag:s8] =	ssyncset.s32 @!p0 $0xFFFFF086;
	s6 =	sadd.s32 @!p0 s3, s7;
	s7 =	simm.s32 @!p0 $0x108  }
0x21: {  	s3 =	sadd.s32 s3, s9;
	s6 =	sadd.s32 @!p0 $0x88, s6;
	s7 =	simm.s32 @p2 $0x1082  }
0x22: {  	[simem:s7], [sflag:s8] =	dma.local @!p0 [hbm:s6], $0xF7A  }
0x23: {  	s9 =	sor.u32 $0xD0000000, s2;
	s6 =	simm.s32 $0x108;
	_ =	swait.ge @!p0 [sflag:s8], $0x0  }
0x24: {  	s3 =	sadd.s32 $0x88, s3;
	s6 =	simm.s32 @!p1 $0x1082;
	[sflag:s4] =	ssyncset.s32 $0xFFFFF086  }
0x25: {  	[simem:s6], [sflag:s4] =	dma.local [hbm:s3], $0xF7A  }
0x26: {  	[smem:$0x3F9D] =	sst s1;
	(tag) =	ssettag s2;
	_ =	strace s9  }
0x27: {  	s1 =	sld [smem:$0x3FAD]  }
0x28: {  	s2 =	sld [smem:$0x3FAE]  }
0x29: {  	s4 =	sld [smem:$0x3FB0]  }
0x2a: {  	p0 =	seq.s32 s5, $0x0;
	s5 =	sld [smem:$0x3FB1]  }
0x2b: {  	s6 =	sld [smem:$0x3FB2]  }
0x2c: {  	s7 =	sld [smem:$0x3FB3]  }
0x2d: {  	s3 =	simm.s32 $0x108;
	s8 =	sld [smem:$0x3FB4]  }
0x2e: {  	s3 =	simm.s32 @!p0 $0x1082;
	s9 =	sld [smem:$0x3FB5]  }
0x2f: {  	lr =	sadd.s32 s0, s3;
	s0 =	sld [smem:$0x3FAC]  }
0x30: {  	s3 =	sld [smem:$0x3FAF]  }
0x31: {  	[smem:$0x3FB8] =	sst s10  }
0x32: {  	s10 =	sld [smem:$0x3FB6];
	_ =	sdelay $0x3  }
0x33: {  	p0 =	seq.s32 s10, $0x1;
	s10 =	sld [smem:$0x3FB8];
	_ =	sdelay $0x3  }
0x34: {  	[smem:$0x3FB8] =	sst s10  }
0x35: {  	s10 =	sld [smem:$0x3FB7];
	_ =	sdelay $0x3  }
0x36: {  	p1 =	seq.s32 s10, $0x1;
	s10 =	sld [smem:$0x3FB8];
	_ =	sdelay $0x3  }
0x37: {  	[smem:$0x3FB8] =	sst s10  }
0x38: {  	s10 =	sld [smem:$0x3FB9]  }
0x39: {  	_ = 	snop;
	(pc) =	sbr.ind lr, $3  }
0x3a: {  	_ = 	snop  }
0x3b: {  	_ = 	snop  }
0x3c: {  	p2 =	seq.s32 s10, $0x1;
	s10 =	sld [smem:$0x3FB8]  }
0x3d: {  	_ =	shalt  }
0x3e: {  	_ =	shalt  }
0x3f: {  	_ =	shalt  }
0x40: {  	_ =	shalt  }
0x41: {  	_ =	shalt  }
0x42: {  	_ =	shalt  }
0x43: {  	_ =	shalt  }
0x44: {  	_ =	shalt  }
0x45: {  	_ =	shalt  }
0x46: {  	_ =	shalt  }
0x47: {  	_ =	shalt  }
0x48: {  	_ =	shalt  }
0x49: {  	_ =	shalt  }
0x4a: {  	_ =	shalt  }
0x4b: {  	_ =	shalt  }
0x4c: {  	_ =	shalt  }
0x4d: {  	_ =	shalt  }
0x4e: {  	_ =	shalt  }
0x4f: {  	_ =	shalt  }
0x50: {  	_ =	shalt  }
0x51: {  	_ =	shalt  }
0x52: {  	_ =	shalt  }
0x53: {  	_ =	shalt  }
0x54: {  	_ =	shalt  }
0x55: {  	_ =	shalt  }
0x56: {  	_ =	shalt  }
0x57: {  	_ =	shalt  }
0x58: {  	_ =	shalt  }
0x59: {  	_ =	shalt  }
0x5a: {  	_ =	shalt  }
0x5b: {  	_ =	shalt  }
0x5c: {  	_ =	shalt  }
0x5d: {  	_ =	shalt  }
0x5e: {  	_ =	shalt  }
0x5f: {  	_ =	shalt  }
0x60: {  	_ =	shalt  }
0x61: {  	_ =	shalt  }
0x62: {  	_ =	shalt  }
0x63: {  	_ =	shalt  }
0x64: {  	_ =	shalt  }
0x65: {  	_ =	shalt  }
0x66: {  	_ =	shalt  }
0x67: {  	_ =	shalt  }
0x68: {  	_ =	shalt  }
0x69: {  	_ =	shalt  }
0x6a: {  	_ =	shalt  }
0x6b: {  	_ =	shalt  }
0x6c: {  	_ =	shalt  }
0x6d: {  	_ =	shalt  }
0x6e: {  	_ =	shalt  }
0x6f: {  	_ =	shalt  }
0x70: {  	_ =	shalt  }
0x71: {  	_ =	shalt  }
0x72: {  	_ =	shalt  }
0x73: {  	_ =	shalt  }
0x74: {  	_ =	shalt  }
0x75: {  	_ =	shalt  }
0x76: {  	_ =	shalt  }
0x77: {  	_ =	shalt  }
0x78: {  	_ =	shalt  }
0x79: {  	_ =	shalt  }
0x7a: {  	_ =	shalt  }
0x7b: {  	_ =	shalt  }
0x7c: {  	_ =	shalt  }
0x7d: {  	_ =	shalt  }
0x7e: {  	_ =	shalt  }
0x7f: {  	_ =	shalt  }
0x80: {  	_ =	shalt  }
0x81: {  	_ =	shalt  }
0x82: {  	_ =	shalt  }
0x83: {  	_ =	shalt  }
0x84: {  	_ =	shalt  }
0x85: {  	_ =	shalt  }
0x86: {  	_ =	shalt  }
0x87: {  	_ =	shalt  }
.Lfunc_end0:
.L_simem_size_0:
called_computation_lowered:
.L_overlay_start_0:
0x88: {  	s2 =	sld [smem:$0x3FD9]  }
0x89: {  	s3 =	sld [smem:$0x3FFE];
	_ =	sdelay $0x1  }
0x8a: {  	s1 =	srdreg.scid  }
0x8b: {  	s0 =	sand.u32 $0x1, s1  }
0x8c: {  	s17 =	sshll.u32 s0, $0xA;
	s2 =	sadd.s32 s3, s2  }
0x8d: {  	s2 =	sadd.s32 s2, s17  }
0x8e: {  	[smem:$0x3FC4] =	sst s2  }
0x8f: {  	_ = 	snop  }
0x90: {  	s2 =	sld [smem:$0x3FC9]  }
0x91: {  	s18 =	sld [smem:$0x3FC6]  }
0x92: {  	s4 =	sld [smem:$0x3FD0];
	(tm) =	ssettm $0x1  }
0x93: {  	s5 =	sld [smem:$0x3FFB];
	_ =	sdelay $0x3  }
0x94: {  	_ =	strace s5  }
0x95: {  	s5 =	sld [smem:$0x3FFC];
	_ =	sdelay $0x3  }
0x96: {  	_ =	strace s5  }
0x97: {  	s5 =	sld [smem:$0x3FFD];
	_ =	sdelay $0x3  }
0x98: {  	_ =	strace s5  }
0x99: {  	_ =	strace $0x8FFFFFFF  }
0x9a: {  	s19 =	sld [smem:$0x3FDB];
	_ =	sdelay $0x1  }
0x9b: {  	s6 =	simm.s32 $_scs_section_size  }
0x9c: {  	s7 =	simm.s32 $_size__tile_overlayer_lowered;
	s8 =	simm.s32 $_tile_overlayer_lowered  }
0x9d: {  	s22 =	simm.s32 $0x1BFF;
	s21 =	sshll.u32 s8, $0x1;
	s5 =	sadd.s32 s6, s19  }
0x9e: {  	s9 =	simm.s32 $0x0;
	s20 =	sshll.u32 s7, $0x1;
	s7 =	sadd.s32 s21, s5  }
0x9f: {  	[timem:s9], [sflag:s22] =	dma.local [hbm:s7], s20  }
0xa0: {  	_ =	swait.ge [sflag:s22], s20  }
0xa1: {  	s6 =	ssub.s32 $0x0, s20;
	[sflag:s22] =	ssyncset.done $0x0  }
0xa2: {  	[sflag:s22] =	ssyncadd.s32 s6;
	_ =	sdelay $0x1  }
0xa3: {  	s23 =	simm.s32 $0x1B8B  }
0xa4: {  	_ =	swait.ge [sflag:s23], $0x1  }
0xa5: {  	[sflag:s23] =	ssyncset.done $0x0  }
0xa6: {  	s25 =	simm.s32 $0x1B8E;
	s24 =	sld [smem:$0x3FFE];
	[sflag:s23] =	ssyncadd.s32 $0xFFFFFFFF  }
0xa7: {  	s26 =	simm.s32 $execute0_lowered;
	[smem:$0x3FD2] =	sst s25  }
0xa8: {  	s7 =	sshll.u32 s26, $0x1;
	_ =	strace $0x80000046;
	[dreg:$0x1] =	wrdreg $0xFFFFFFFF  }
0xa9: {  	s28 =	simm.s32 $_size_execute0_lowered;
	s5 =	sadd.s32 s5, s7;
	[dreg:$0x0] =	wrdreg $0x0  }
0xaa: {  	s7 =	sshll.u32 s28, $0x1;
	[dreg:$0x2] =	wrdreg s5  }
0xab: {  	[dreg:$0x3] =	wrdreg s7  }
0xac: {  	[dreg:$0x4] =	wrdreg $0xC0  }
0xad: {  	_ =	task [dreg:s9], $0x5FFFF  }
0xae: {  	[dreg:$0x1] =	wrdreg $0xFFFFFFFF  }
0xaf: {  	[dreg:$0x0] =	wrdreg $0x60  }
0xb0: {  	[dreg:$0x2] =	wrdreg s24  }
0xb1: {  	[dreg:$0x3] =	wrdreg s2  }
0xb2: {  	[dreg:$0x4] =	wrdreg s18  }
0xb3: {  	[dreg:$0x5] =	wrdreg s4  }
0xb4: {  	[dreg:$0x6] =	wrdreg $0x9  }
0xb5: {  	_ =	task.clear_ibuf [dreg:s9], $0x7FFFF;
	_ =	strace $0x90000046  }
0xb6: {  	s29 =	simm.s32 $0x9;
	_ =	strace $0x80000048  }
0xb7: {  	_ =	swait.ge [sflag:s29], $0x1  }
0xb8: {  	[sflag:s29] =	ssyncadd.s32 $0xFFFFFFFF  }
0xb9: {  	_ =	strace $0x90000048  }
0xba: {  	_ =	sfence  }
0xbb: {  	s30 =	sld [smem:$0x0];
	_ =	sdelay $0x2  }
0xbc: {  	s31 =	sshll.u32 s1, $0xD;
	s1 =	sshrl.u32 s1, $0x2  }
0xbd: {  	s3 =	sand.u32 $0x4000, s31;
	s1 =	sadd.s32 s1, s30  }
0xbe: {  	s0 =	sor.u32 s3, s0;
	s1 =	sshll.u32 s1, $0x11  }
0xbf: {  	s0 =	sor.u32 s1, s0  }
0xc0: {  	s0 =	sadd.s32 $0x8F2B, s0  }
0xc1: {  	[sflag:s0] =	ssyncadd.remote.s32 $0x1  }
0xc2: {  	_ =	sfence.sel $0xFFFF  }
0xc3: {  	[dreg:$0x0] =	wrdreg $0xFFFFFFFF;
	(pc) =	sbr.abs _section_cstart, $3  }
0xc4: {  	[dreg:$0x1] =	wrdreg $0xFFFFFFFF  }
0xc5: {  	_ =	task.clear_ibuf [dreg:s9], $0x2FFFF;
	_ =	strace $0x9FFFFFFF  }
0xc6: {  	(tm) =	ssettm $0x7FFFFFFF  }
0xc7: {  	_ =	shalt  }
tec
execute0_lowered:
.L_overlay_start_1:
0x0: {  	(tag) =	ssettag $0x1  }
0x1: {  	s12 =	rddreg [dreg:$0x0]  }
0x2: {  	s2 =	srdreg.scid;
	s0 =	stileid.u32  }
0x3: {  	s1 =	rddreg [dreg:$0x1];
	s13 =	sand.u32 $0x1, s2;
	s30 =	sshll.u32 s0, $0x4  }
0x4: {  	s3 =	rddreg [dreg:$0x2];
	s4 =	sshll.u32 s13, $0x3;
	s2 =	sand.u32 $0x70, s30  }
0x5: {  	s10 =	rddreg [dreg:$0x3];
	s11 =	sor.u32 s4, s2  }
0x6: {  	s2 =	rddreg [dreg:$0x4];
	s4 =	simm.s32 $0x0;
	s5 =	sshrl.u32 s11, $0x3  }
0x7: {  	[smem:$0x7FF] =	sst s4;
	s14 =	sadd.s32 s5, s12  }
0x8: {  	_ =	strace $0x80000047;
	s5 =	simm.s32 $0x2;
	s6 =	sadd.s32 $0x1000, s14  }
0x9: {  	[tilespmem:s4], [sflag:$0x2] =	stream.linear.gather [hbm4b:s6+s4], $0x8, $0x38;
	[tilespmem:$0x480] =	vst v63  }
0xa: {  	_ =	swait.ge [sflag:s5], $0x8  }
0xb: {  	s7 =	simm.s32 $0x8;
	[sflag:s5] =	ssyncset.done $0x0  }
0xc: {  	s8 =	simm.s32 $0x80;
	s9 =	simm.s32 $0x1;
	[sflag:s5] =	ssyncadd.s32 $0xFFFFFFF8  }
0xd: {  	[tilespmem:s8], [sflag:$0x1] =	stream.indirect.gather [hbm4b:s1+s7], $0x80, s4, s7, $0xb8;
	[tilespmem:$0x480] =	vst v63  }
0xe: {  	_ =	swait.ge [sflag:s9], $0x400  }
0xf: {  	s15 =	sshll.u32 s11, $0x4;
	[sflag:s9] =	ssyncset.done $0x0  }
0x10: {  	s10 =	sadd.s32 s10, s15;
	[sflag:s9] =	ssyncadd.s32 $0xFFFFFC00  }
0x11: {  	[hbm4b:s10+s4] =	stream.linear.scatter [tilespmem:s8], [sflag:$0x2], $0x400, $0x38;
	[tilespmem:$0x480] =	vst v63  }
0x12: {  	_ =	swait.ge [sflag:s5], $0x400  }
0x13: {  	[sflag:s5] =	ssyncset.done $0x0  }
0x14: {  	s13 =	ssub.s32 $0x2, s13;
	s11 =	sadd.s32 $0x1200, s14;
	[sflag:s5] =	ssyncadd.s32 $0xFFFFFC00  }
0x15: {  	[tilespmem:s4], [sflag:$0x2] =	stream.linear.gather [hbm4b:s11+s4], $0x8, $0x38;
	[tilespmem:$0x480] =	vst v63  }
0x16: {  	s31 =	sshrl.u32 s13, $0x1;
	_ =	swait.ge [sflag:s5], $0x8  }
0x17: {  	s13 =	ssub.s32 s13, s31;
	[sflag:s5] =	ssyncset.done $0x0  }
0x18: {  	s13 =	smax.u32 s13, $0x1;
	[sflag:s5] =	ssyncadd.s32 $0xFFFFFFF8  }
0x19: {  	[tilespmem:s8], [sflag:$0x1] =	stream.indirect.gather [hbm4b:s3+s7], $0x80, s4, s7, $0xb8;
	[tilespmem:$0x480] =	vst v63  }
0x1a: {  	p0 =	sne.s32 s13, $0x1;
	_ =	swait.ge [sflag:s9], $0x400  }
.Ltmp0:
0x1b: {  	s12 =	sadd.s32 s15, s12;
	[sflag:s9] =	ssyncset.done $0x0;
	(pc) =	sbr.rel @!p0 .LBB2_2-.Ltmp0, $4  }
0x1c: {  	s12 =	sadd.s32 $0x1400, s12;
	[sflag:s9] =	ssyncadd.s32 $0xFFFFFC00  }
0x1d: {  	[hbm4b:s12+s4] =	stream.linear.scatter [tilespmem:s8], [sflag:$0x2], $0x400, $0x38;
	[tilespmem:$0x480] =	vst v63  }
0x1e: {  	_ =	swait.ge [sflag:s5], $0x400  }
0x1f: {  	s13 =	sadd.s32 $0xFFFFFFFF, s13;
	[sflag:s5] =	ssyncset.done $0x0  }
.LBB2_1:
0x20: {  	p0 =	sne.s32 s13, $0x1;
	s13 =	sadd.s32 $0xFFFFFFFF, s13;
	[sflag:s5] =	ssyncadd.s32 $0xFFFFFC00  }
0x21: {  	[tilespmem:s4], [sflag:$0x2] =	stream.linear.gather [hbm4b:s6+s4], $0x8, $0x38;
	[tilespmem:$0x480] =	vst v63  }
0x22: {  	_ =	swait.ge [sflag:s5], $0x8  }
0x23: {  	[sflag:s5] =	ssyncset.done $0x0  }
0x24: {  	[sflag:s5] =	ssyncadd.s32 $0xFFFFFFF8  }
0x25: {  	[tilespmem:s8], [sflag:$0x1] =	stream.indirect.gather [hbm4b:s1+s7], $0x80, s4, s7, $0xb8;
	[tilespmem:$0x480] =	vst v63  }
0x26: {  	_ =	swait.ge [sflag:s9], $0x400  }
0x27: {  	[sflag:s9] =	ssyncset.done $0x0  }
0x28: {  	[sflag:s9] =	ssyncadd.s32 $0xFFFFFC00  }
0x29: {  	[hbm4b:s10+s4] =	stream.linear.scatter [tilespmem:s8], [sflag:$0x2], $0x400, $0x38;
	[tilespmem:$0x480] =	vst v63  }
0x2a: {  	_ =	swait.ge [sflag:s5], $0x400  }
0x2b: {  	[sflag:s5] =	ssyncset.done $0x0  }
0x2c: {  	[sflag:s5] =	ssyncadd.s32 $0xFFFFFC00  }
0x2d: {  	[tilespmem:s4], [sflag:$0x2] =	stream.linear.gather [hbm4b:s11+s4], $0x8, $0x38;
	[tilespmem:$0x480] =	vst v63  }
0x2e: {  	_ =	swait.ge [sflag:s5], $0x8  }
0x2f: {  	[sflag:s5] =	ssyncset.done $0x0  }
0x30: {  	[sflag:s5] =	ssyncadd.s32 $0xFFFFFFF8  }
0x31: {  	[tilespmem:s8], [sflag:$0x1] =	stream.indirect.gather [hbm4b:s3+s7], $0x80, s4, s7, $0xb8;
	[tilespmem:$0x480] =	vst v63  }
0x32: {  	_ =	swait.ge [sflag:s9], $0x400  }
.Ltmp1:
0x33: {  	[sflag:s9] =	ssyncset.done $0x0;
	(pc) =	sbr.rel @p0 .LBB2_1-.Ltmp1, $4  }
0x34: {  	[sflag:s9] =	ssyncadd.s32 $0xFFFFFC00  }
0x35: {  	[hbm4b:s12+s4] =	stream.linear.scatter [tilespmem:s8], [sflag:$0x2], $0x400, $0x38;
	[tilespmem:$0x480] =	vst v63  }
0x36: {  	_ =	swait.ge [sflag:s5], $0x400  }
0x37: {  	[sflag:s5] =	ssyncset.done $0x0  }
.LBB2_2:
0x38: {  	[sflag:s5] =	ssyncadd.s32 $0xFFFFFC00  }
0x39: {  	_ =	sfence.sel $0x180000  }
0x3a: {  	[bflag:$0x0] =	sbarrier.arrive $0xFFFF  }
0x3b: {  	p0 =	sne.s32 s0, $0x0;
	_ =	strace $0x90000047  }
0x3c: {  	s0 =	sadd.s32 @!p0 $0x100000, s2;
	[bflag:$0x2] =	sbarrier.arrive $0xFFFF  }
0x3d: {  	[sflag:s0] =	ssyncadd.tile.s32 @!p0 $0x1;
	_ =	shalt  }
.Lfunc_end2:
_tile_overlayer_lowered:
.L_overlay_start_2:
0x3e: {  	(tag) =	ssettag $0x2  }
0x3f: {  	s0 =	rddreg [dreg:$0x0];
	s2 =	stileid.u32  }
0x40: {  	s1 =	rddreg [dreg:$0x1];
	p0 =	sne.s32 s2, $0x0  }
0x41: {  	s3 =	rddreg [dreg:$0x2];
	[bflag:$0x3] =	sbarrier.arrive $0xFFFF;
	s2 =	simm.s32 @!p0 $0x1C02  }
0x42: {  	[timem:s3], [sflag:s2] =	dma.local @!p0 [hbm:s0], s1  }
0x43: {  	s0 =	simm.s32 @!p0 $0x2  }
0x44: {  	_ =	swait.ge @!p0 [sflag:s0], s1  }
0x45: {  	s1 =	ssub.s32 @!p0 $0x0, s1;
	[sflag:s0] =	ssyncset.done @!p0 $0x0  }
0x46: {  	[sflag:s0] =	ssyncadd.s32 @!p0 s1  }
0x47: {  	[bflag:$0x3] =	sbarrier.arrive $0xFFFF  }
0x48: {  	_ =	shalt  }

</sc_bundles>
